<compile_context>
chip_gen: v7x
topology: tpu7x:2x2x1
jax: 0.10.2.dev20260603
libtpu: 0.0.44.dev20260713+nightly
codegen_flags: <defaults>
</compile_context>

<pallas_src>
import functools

import jax
import jax.numpy as jnp
from jax import lax
from jax.experimental import pallas as pl
from jax.experimental.pallas import tpu as pltpu
from jax.experimental.pallas import tpu_sc as plsc

_TEMPERATURE = 0.5
_N = 2048
_E = 64
_QUEUE = 100000
_QBLK = 4000
_NBLK = _QUEUE // _QBLK
_IDXMASK = 4095


def _rownorm(x):
    n = jnp.sqrt(jnp.sum(x * x, axis=1, keepdims=True))
    return x / jnp.maximum(n, 1e-12)


def _mxu_rownorm(x):
    ssq = lax.dot_general(
        x * x, jnp.ones((_E, 8), jnp.float32), (((1,), (0,)), ((), ())),
        preferred_element_type=jnp.float32)[:, 0:1]
    return x * lax.rsqrt(jnp.maximum(ssq, 1e-24))


def _argmax_body(z_ref, q_ref, idx_ref, enc_ref, blk_ref):
    b = pl.program_id(0)

    @pl.when(b == 0)
    def _init():
        enc_ref[...] = jnp.full((_N, 1), -jnp.inf, jnp.float32)
        blk_ref[...] = jnp.zeros((_N, 1), jnp.int32)

    feats = _mxu_rownorm(z_ref[...])
    qn = _mxu_rownorm(q_ref[...])
    sims = lax.dot_general(
        feats, qn, (((1,), (1,)), ((), ())),
        preferred_element_type=jnp.float32)
    colcomp = (_QBLK - 1) - lax.broadcasted_iota(jnp.int32, (1, _QBLK), 1)
    ei = lax.bitcast_convert_type(sims, jnp.int32)
    ei = jnp.bitwise_or(jnp.bitwise_and(ei, jnp.int32(~_IDXMASK)), colcomp)
    encf = lax.bitcast_convert_type(ei, jnp.float32)
    m = jnp.max(encf, axis=1, keepdims=True)
    upd = m > enc_ref[...]
    blk_ref[...] = jnp.where(upd, b, blk_ref[...])
    enc_ref[...] = jnp.maximum(m, enc_ref[...])

    @pl.when(b == _NBLK - 1)
    def _fin():
        low = jnp.bitwise_and(
            lax.bitcast_convert_type(enc_ref[...], jnp.int32), _IDXMASK)
        idx_ref[...] = blk_ref[...] * _QBLK + ((_QBLK - 1) - low)


def _nn_argmax(z, queue):
    return pl.pallas_call(
        _argmax_body,
        grid=(_NBLK,),
        in_specs=[
            pl.BlockSpec((_N, _E), lambda b: (0, 0)),
            pl.BlockSpec((_QBLK, _E), lambda b: (b, 0)),
        ],
        out_specs=pl.BlockSpec((_N, 1), lambda b: (0, 0)),
        out_shape=jax.ShapeDtypeStruct((_N, 1), jnp.int32),
        scratch_shapes=[
            pltpu.VMEM((_N, 1), jnp.float32),
            pltpu.VMEM((_N, 1), jnp.int32),
        ],
    )(z, queue)


_NC = 2
_NS = 16
_NW = _NC * _NS
_BPW = _N // _NW


@functools.lru_cache(maxsize=1)
def _gather_nn_kernel():
    @functools.partial(
        pl.kernel,
        mesh=plsc.VectorSubcoreMesh(core_axis_name="c", subcore_axis_name="s"),
        out_type=jax.ShapeDtypeStruct((_N, _E), jnp.float32),
        scratch_types=[
            pltpu.VMEM((_BPW,), jnp.int32),
            pltpu.VMEM((_BPW, _E), jnp.float32),
            pltpu.SemaphoreType.DMA,
        ],
        compiler_params=pltpu.CompilerParams(use_tc_tiling_on_sc=False),
    )
    def _gather_nn(table_hbm, idx_hbm, out_hbm, idx_v, rows_v, sem):
        wid = lax.axis_index("s") * _NC + lax.axis_index("c")
        base = wid * _BPW
        pltpu.sync_copy(idx_hbm.at[pl.ds(base, _BPW)], idx_v)
        pltpu.async_copy(table_hbm.at[idx_v], rows_v, sem).wait()
        pltpu.sync_copy(rows_v, out_hbm.at[pl.ds(base, _BPW)])

    return _gather_nn


_FBLK = 512
_NFB = _N // _FBLK


def _loss_body(z_ref, nn_ref, out_ref, feats_ref, sim_ref):
    f = pl.program_id(0)

    @pl.when(f == 0)
    def _init():
        feats_ref[...] = _rownorm(z_ref[...])
        out_ref[...] = jnp.zeros((1, 1), jnp.float32)

    nn_n = _rownorm(nn_ref[...])
    sim = lax.dot_general(
        nn_n, feats_ref[...], (((1,), (1,)), ((), ())),
        preferred_element_type=jnp.float32) * (1.0 / _TEMPERATURE)
    sim_ref[...] = sim
    eye = (lax.broadcasted_iota(jnp.int32, (_FBLK, _FBLK), 0)
           == lax.broadcasted_iota(jnp.int32, (_FBLK, _FBLK), 1))
    dsub = sim_ref[:, pl.ds(f * _FBLK, _FBLK)]
    d = jnp.sum(jnp.where(eye, dsub, 0.0), axis=1, keepdims=True)
    psub = sim_ref[:, pl.ds((f * _FBLK + _N // 2) % _N, _FBLK)]
    pos_sum = jnp.sum(jnp.where(eye, psub, 0.0))
    m = jnp.max(sim, axis=1, keepdims=True)
    s = jnp.sum(jnp.exp(sim - m), axis=1, keepdims=True) - jnp.exp(d - m)
    lse_sum = jnp.sum(jnp.log(s) + m)
    part = (lse_sum - pos_sum) * (1.0 / _N)
    out_ref[...] = out_ref[...] + jnp.reshape(part, (1, 1))


def _loss(z, nn_raw):
    return pl.pallas_call(
        _loss_body,
        grid=(_NFB,),
        in_specs=[
            pl.BlockSpec((_N, _E), lambda f: (0, 0)),
            pl.BlockSpec((_FBLK, _E), lambda f: (f, 0)),
        ],
        out_specs=pl.BlockSpec((1, 1), lambda f: (0, 0)),
        out_shape=jax.ShapeDtypeStruct((1, 1), jnp.float32),
        scratch_shapes=[
            pltpu.VMEM((_N, _E), jnp.float32),
            pltpu.VMEM((_FBLK, _N), jnp.float32),
        ],
    )(z, nn_raw)


def kernel(z_i, z_j, queue):
    z = jnp.concatenate([z_i, z_j], axis=0)
    nn_idx = _nn_argmax(z, queue).reshape(_N)
    nn_raw = _gather_nn_kernel()(queue, nn_idx)
    return _loss(z, nn_raw)[0, 0]

# --- scband reference (transcript-rebuilt; emitter-appended) ---
"""Pipeline reference for scband-nnclrloss-79396765434186 (READ-ONLY COPY).

The authoritative reference and input builder live on the scoring server;
editing this copy changes nothing except your own understanding.
"""

import jax, jax.numpy as jnp
import numpy as np

TEMPERATURE = 0.5
QUEUE_SIZE = 100000
EMBED_SIZE = 64
BATCH = 1024


def _normalize(x, axis=1, eps=1e-12):
    n = jnp.linalg.norm(x, axis=axis, keepdims=True)
    return x / jnp.maximum(n, eps)


def setup_inputs(seed: int = 0) -> dict:
    key = jax.random.key(seed)
    k1, k2, k3 = jax.random.split(key, 3)
    z_i = jax.random.normal(k1, (BATCH, EMBED_SIZE), dtype=jnp.float32)
    z_j = jax.random.normal(k2, (BATCH, EMBED_SIZE), dtype=jnp.float32)
    queue = jax.random.normal(k3, (QUEUE_SIZE, EMBED_SIZE), dtype=jnp.float32)
    return {"z_i": z_i, "z_j": z_j, "queue": queue}


def reference(z_i, z_j, queue):
    # all_gather is identity on a single device
    z = jnp.concatenate([z_i, z_j], axis=0)
    N = z.shape[0]
    features = _normalize(z, axis=1)

    # SupportSet.forward: NN lookup against normalized queue
    queue_norm = _normalize(queue, axis=1)
    similarities = jnp.matmul(features, queue_norm.T)
    nn_idx = jnp.argmax(similarities, axis=1)
    nn_feats = jnp.take(queue_norm, nn_idx, axis=0)

    sim = jnp.matmul(nn_feats, features.T) / TEMPERATURE

    sim_i_j = jnp.diagonal(sim, offset=N // 2)
    sim_j_i = jnp.diagonal(sim, offset=-(N // 2))
    positive_samples = jnp.concatenate([sim_i_j, sim_j_i], axis=0)

    # off-diagonal extraction via static numpy index (equivalent to sim[~eye].reshape(N, -1))
    mask = np.eye(N, dtype=bool)
    rows, cols = np.nonzero(~mask)
    negative_samples = sim[rows, cols].reshape(N, N - 1)

    attraction = -jnp.mean(positive_samples)
    repulsion = jnp.mean(jax.scipy.special.logsumexp(negative_samples, axis=1))
    return attraction + repulsion

if __name__ == "__main__":
    import jax
    _d = setup_inputs()
    print(jax.jit(kernel)(*tuple(_d.values())))

</pallas_src>

<mosaic_0001>
#map = affine_map<(d0, d1) -> (0, 0)>
#map1 = affine_map<(d0, d1) -> (0)>
module attributes {stable_mosaic.version = 14 : i64} {
  func.func @_gather_nn(%arg0: i32, %arg1: i32, %arg2: memref<100000x64xf32, #tpu.memory_space<hbm>>, %arg3: memref<2048xi32, #tpu.memory_space<hbm>>, %arg4: memref<2048x64xf32, #tpu.memory_space<hbm>>, %arg5: memref<64xi32, #tpu.memory_space<vmem>>, %arg6: memref<64x64xf32, #tpu.memory_space<vmem>>, %arg7: memref<!tpu.dma_semaphore, #tpu.memory_space<semaphore_mem>>) attributes {dimension_semantics = [#tpu.dimension_semantics<core_parallel>, #tpu.dimension_semantics<subcore_parallel>], iteration_bounds = array<i64: 2, 16>, scalar_prefetch = 0 : i64, scratch_operands = 3 : i64, tpu.core_type = #tpu.core_type<sc_vector_subcore>, window_params = [{transform_indices = #map}, {transform_indices = #map1}, {transform_indices = #map}]} {
    %mul3A = arith.constant 2 : i32
    %mul3A_0 = arith.muli %arg1, %mul3A : i32
    %add3A = arith.addi %mul3A_0, %arg0 : i32
    %mul3A_1 = arith.constant 64 : i32
    %mul3A_2 = arith.muli %add3A, %mul3A_1 : i32
    "tpu.region"() ({
      %run_scoped3A = tpu.sem_alloc : memref<!tpu.dma_semaphore, #tpu.memory_space<semaphore_mem>>
      %dma_start3A_7 = tpu.memref_slice %arg3[%mul3A_2] : memref<2048xi32, #tpu.memory_space<hbm>> -> memref<64xi32, #tpu.memory_space<hbm>>
      %dma_start3A_8 = tpu.memref_slice %arg3[%mul3A_2] : memref<2048xi32, #tpu.memory_space<hbm>> -> memref<64xi32, #tpu.memory_space<hbm>>
      tpu.enqueue_dma source(%dma_start3A_8 : memref<64xi32, #tpu.memory_space<hbm>>) target(%arg5 : memref<64xi32, #tpu.memory_space<vmem>>) target_semaphore(%run_scoped3A : memref<!tpu.dma_semaphore, #tpu.memory_space<semaphore_mem>>)
      %dma_wait3A_9 = tpu.memref_slice %arg3[%mul3A_2] : memref<2048xi32, #tpu.memory_space<hbm>> -> memref<64xi32, #tpu.memory_space<hbm>>
      %dma_wait3A_10 = tpu.memref_slice %arg3[%mul3A_2] : memref<2048xi32, #tpu.memory_space<hbm>> -> memref<64xi32, #tpu.memory_space<hbm>>
      tpu.wait_dma2 semaphore(%run_scoped3A : memref<!tpu.dma_semaphore, #tpu.memory_space<semaphore_mem>>) src(%dma_wait3A_10 : memref<64xi32, #tpu.memory_space<hbm>>) dst(%arg5 : memref<64xi32, #tpu.memory_space<vmem>>)
      tpu.yield
    }) : () -> ()
    %dma_start3A = arith.constant 0 : i32
    %dma_start3A_3 = arith.constant 0 : i32
    %dma_start3A_4 = tpu.memref_slice %arg2[%dma_start3A, %dma_start3A_3] : memref<100000x64xf32, #tpu.memory_space<hbm>> -> memref<100000x64xf32, #tpu.memory_space<hbm>>
    tpu.enqueue_indirect_dma source(%dma_start3A_4 : memref<100000x64xf32, #tpu.memory_space<hbm>>) target(%arg6 : memref<64x64xf32, #tpu.memory_space<vmem>>) offsets(%arg5 : memref<64xi32, #tpu.memory_space<vmem>>) semaphore(%arg7 : memref<!tpu.dma_semaphore, #tpu.memory_space<semaphore_mem>>)
    %dma_wait3A = arith.constant 0 : i32
    %dma_wait3A_5 = arith.constant 0 : i32
    %dma_wait3A_6 = tpu.memref_slice %arg2[%dma_wait3A, %dma_wait3A_5] : memref<100000x64xf32, #tpu.memory_space<hbm>> -> memref<100000x64xf32, #tpu.memory_space<hbm>>
    tpu.wait_indirect_dma semaphore(%arg7 : memref<!tpu.dma_semaphore, #tpu.memory_space<semaphore_mem>>) src(%dma_wait3A_6 : memref<100000x64xf32, #tpu.memory_space<hbm>>) dst(%arg6 : memref<64x64xf32, #tpu.memory_space<vmem>>)
    "tpu.region"() ({
      %run_scoped3A = tpu.sem_alloc : memref<!tpu.dma_semaphore, #tpu.memory_space<semaphore_mem>>
      %dma_start3A_7 = arith.constant 0 : i32
      %dma_start3A_8 = tpu.memref_slice %arg4[%mul3A_2, %dma_start3A_7] : memref<2048x64xf32, #tpu.memory_space<hbm>> -> memref<64x64xf32, #tpu.memory_space<hbm>>
      %dma_start3A_9 = arith.constant 0 : i32
      %dma_start3A_10 = tpu.memref_slice %arg4[%mul3A_2, %dma_start3A_9] : memref<2048x64xf32, #tpu.memory_space<hbm>> -> memref<64x64xf32, #tpu.memory_space<hbm>>
      tpu.enqueue_dma source(%arg6 : memref<64x64xf32, #tpu.memory_space<vmem>>) target(%dma_start3A_10 : memref<64x64xf32, #tpu.memory_space<hbm>>) target_semaphore(%run_scoped3A : memref<!tpu.dma_semaphore, #tpu.memory_space<semaphore_mem>>)
      %dma_wait3A_11 = arith.constant 0 : i32
      %dma_wait3A_12 = tpu.memref_slice %arg4[%mul3A_2, %dma_wait3A_11] : memref<2048x64xf32, #tpu.memory_space<hbm>> -> memref<64x64xf32, #tpu.memory_space<hbm>>
      %dma_wait3A_13 = arith.constant 0 : i32
      %dma_wait3A_14 = tpu.memref_slice %arg4[%mul3A_2, %dma_wait3A_13] : memref<2048x64xf32, #tpu.memory_space<hbm>> -> memref<64x64xf32, #tpu.memory_space<hbm>>
      tpu.wait_dma2 semaphore(%run_scoped3A : memref<!tpu.dma_semaphore, #tpu.memory_space<semaphore_mem>>) src(%arg6 : memref<64x64xf32, #tpu.memory_space<vmem>>) dst(%dma_wait3A_14 : memref<64x64xf32, #tpu.memory_space<hbm>>)
      tpu.yield
    }) : () -> ()
    return
  }
}

module attributes {stable_mosaic.version = 14 : i64} {
  func.func @_argmax_body(%arg0: i32, %arg1: memref<2048x64xf32, #tpu.memory_space<vmem>>, %arg2: memref<4000x64xf32, #tpu.memory_space<vmem>>, %arg3: memref<2048x1xi32, #tpu.memory_space<vmem>>, %arg4: memref<2048x1xf32, #tpu.memory_space<vmem>>, %arg5: memref<2048x1xi32, #tpu.memory_space<vmem>>) attributes {dimension_semantics = [#tpu.dimension_semantics<arbitrary>], iteration_bounds = array<i64: 25>, scalar_prefetch = 0 : i64, scratch_operands = 2 : i64, tpu.core_type = #tpu.core_type<tc>, window_params = [{pipeline_mode = #tpu.pipeline_mode<synchronous>, transform_indices = @transform_0, window_bounds = array<i64: 2048, 64>}, {transform_indices = @transform_1, window_bounds = array<i64: 4000, 64>}, {pipeline_mode = #tpu.pipeline_mode<synchronous>, transform_indices = @transform_2, window_bounds = array<i64: 2048, 1>}]} {
    %eq3A = arith.constant 0 : i32
    %eq3A_0 = arith.cmpi eq, %arg0, %eq3A : i32
    %convert_element_type3A = arith.extui %eq3A_0 : i1 to i32
    %cond3A = arith.constant 0 : i32
    %cond3A_1 = arith.cmpi ne, %convert_element_type3A, %cond3A : i32
    scf.if %cond3A_1 {
      %broadcast_in_dim3A_56 = arith.constant 0xFF800000 : f32
      %broadcast_in_dim3A_57 = vector.broadcast %broadcast_in_dim3A_56 : f32 to vector<2048x1xf32>
      %swap3A_58 = arith.constant 0 : index
      %swap3A_59 = arith.constant 0 : index
      %swap3A_60 = vector.load %arg4[%swap3A_58, %swap3A_59] : memref<2048x1xf32, #tpu.memory_space<vmem>>, vector<2048x1xf32>
      tpu.vector_store %arg4[%swap3A_58, %swap3A_59], %broadcast_in_dim3A_57 {strides = array<i32>} : memref<2048x1xf32, #tpu.memory_space<vmem>>, vector<2048x1xf32>,
      %broadcast_in_dim3A_61 = arith.constant 0 : i32
      %broadcast_in_dim3A_62 = vector.broadcast %broadcast_in_dim3A_61 : i32 to vector<2048x1xi32>
      %swap3A_63 = arith.constant 0 : index
      %swap3A_64 = arith.constant 0 : index
      %swap3A_65 = vector.load %arg5[%swap3A_63, %swap3A_64] : memref<2048x1xi32, #tpu.memory_space<vmem>>, vector<2048x1xi32>
      tpu.vector_store %arg5[%swap3A_63, %swap3A_64], %broadcast_in_dim3A_62 {strides = array<i32>} : memref<2048x1xi32, #tpu.memory_space<vmem>>, vector<2048x1xi32>,
    } else {
    }
    %get3A = arith.constant 0 : index
    %get3A_2 = arith.constant 0 : index
    %get3A_3 = vector.load %arg1[%get3A, %get3A_2] : memref<2048x64xf32, #tpu.memory_space<vmem>>, vector<2048x64xf32>
    %mul3A = arith.mulf %get3A_3, %get3A_3 : vector<2048x64xf32>
    %broadcast_in_dim3A = arith.constant 1.000000e+00 : f32
    %broadcast_in_dim3A_4 = vector.broadcast %broadcast_in_dim3A : f32 to vector<64x8xf32>
    %dot_general3A = arith.constant dense<0.000000e+00> : vector<2048x8xf32>
    %dot_general3A_5 = tpu.matmul %mul3A, %broadcast_in_dim3A_4, %dot_general3A {dimension_numbers = #tpu.dot_dimension_numbers<[1], [0], [0], [1], [0, 0, 1, 1], [], []>, transpose_lhs_hint = false} : vector<2048x64xf32>, vector<64x8xf32>, vector<2048x8xf32> -> vector<2048x8xf32>
    %slice3A = vector.extract_strided_slice %dot_general3A_5 {offsets = [0, 0], sizes = [2048, 1], strides = [1, 1]} : vector<2048x8xf32> to vector<2048x1xf32>
    %max3A = arith.constant 1.000000e-24 : f32
    %max3A_6 = vector.broadcast %max3A : f32 to vector<2048x1xf32>
    %max3A_7 = arith.maximumf %slice3A, %max3A_6 : vector<2048x1xf32>
    %rsqrt3A = math.rsqrt %max3A_7 : vector<2048x1xf32>
    %mul3A_8 = vector.broadcast %rsqrt3A : vector<2048x1xf32> to vector<2048x64xf32>
    %mul3A_9 = arith.mulf %get3A_3, %mul3A_8 : vector<2048x64xf32>
    %get3A_10 = arith.constant 0 : index
    %get3A_11 = arith.constant 0 : index
    %get3A_12 = vector.load %arg2[%get3A_10, %get3A_11] : memref<4000x64xf32, #tpu.memory_space<vmem>>, vector<4000x64xf32>
    %mul3A_13 = arith.mulf %get3A_12, %get3A_12 : vector<4000x64xf32>
    %broadcast_in_dim3A_14 = arith.constant 1.000000e+00 : f32
    %broadcast_in_dim3A_15 = vector.broadcast %broadcast_in_dim3A_14 : f32 to vector<64x8xf32>
    %dot_general3A_16 = arith.constant dense<0.000000e+00> : vector<4000x8xf32>
    %dot_general3A_17 = tpu.matmul %mul3A_13, %broadcast_in_dim3A_15, %dot_general3A_16 {dimension_numbers = #tpu.dot_dimension_numbers<[1], [0], [0], [1], [0, 0, 1, 1], [], []>, transpose_lhs_hint = false} : vector<4000x64xf32>, vector<64x8xf32>, vector<4000x8xf32> -> vector<4000x8xf32>
    %slice3A_18 = vector.extract_strided_slice %dot_general3A_17 {offsets = [0, 0], sizes = [4000, 1], strides = [1, 1]} : vector<4000x8xf32> to vector<4000x1xf32>
    %max3A_19 = arith.constant 1.000000e-24 : f32
    %max3A_20 = vector.broadcast %max3A_19 : f32 to vector<4000x1xf32>
    %max3A_21 = arith.maximumf %slice3A_18, %max3A_20 : vector<4000x1xf32>
    %rsqrt3A_22 = math.rsqrt %max3A_21 : vector<4000x1xf32>
    %mul3A_23 = vector.broadcast %rsqrt3A_22 : vector<4000x1xf32> to vector<4000x64xf32>
    %mul3A_24 = arith.mulf %get3A_12, %mul3A_23 : vector<4000x64xf32>
    %dot_general3A_25 = arith.constant dense<0.000000e+00> : vector<2048x4000xf32>
    %dot_general3A_26 = tpu.matmul %mul3A_9, %mul3A_24, %dot_general3A_25 {dimension_numbers = #tpu.dot_dimension_numbers<[1], [1], [0], [0], [0, 0, 1, 0], [], []>, transpose_lhs_hint = false} : vector<2048x64xf32>, vector<4000x64xf32>, vector<2048x4000xf32> -> vector<2048x4000xf32>
    %iota3A = tpu.iota {dimensions = array<i32: 1>} : vector<1x4000xi32>
    %sub3A = arith.constant 3999 : i32
    %sub3A_27 = vector.broadcast %sub3A : i32 to vector<1x4000xi32>
    %sub3A_28 = arith.subi %sub3A_27, %iota3A : vector<1x4000xi32>
    %bitcast_convert_type3A = tpu.bitcast %dot_general3A_26 : vector<2048x4000xf32> -> vector<2048x4000xi32>
    %and3A = arith.constant -4096 : i32
    %and3A_29 = vector.broadcast %and3A : i32 to vector<2048x4000xi32>
    %and3A_30 = arith.andi %bitcast_convert_type3A, %and3A_29 : vector<2048x4000xi32>
    %or3A = vector.broadcast %sub3A_28 : vector<1x4000xi32> to vector<2048x4000xi32>
    %or3A_31 = arith.ori %and3A_30, %or3A : vector<2048x4000xi32>
    %bitcast_convert_type3A_32 = tpu.bitcast %or3A_31 : vector<2048x4000xi32> -> vector<2048x4000xf32>
    %reduce_max3A = arith.constant dense<0xFF800000> : vector<2048xf32>
    %reduce_max3A_33 = vector.multi_reduction <maximumf>, %bitcast_convert_type3A_32, %reduce_max3A [1] : vector<2048x4000xf32> to vector<2048xf32>
    %broadcast_in_dim3A_34 = vector.shape_cast %reduce_max3A_33 : vector<2048xf32> to vector<2048x1xf32>
    %get3A_35 = arith.constant 0 : index
    %get3A_36 = arith.constant 0 : index
    %get3A_37 = vector.load %arg4[%get3A_35, %get3A_36] : memref<2048x1xf32, #tpu.memory_space<vmem>>, vector<2048x1xf32>
    %gt3A = arith.cmpf ogt, %broadcast_in_dim3A_34, %get3A_37 : vector<2048x1xf32>
    %get3A_38 = arith.constant 0 : index
    %get3A_39 = arith.constant 0 : index
    %get3A_40 = vector.load %arg5[%get3A_38, %get3A_39] : memref<2048x1xi32, #tpu.memory_space<vmem>>, vector<2048x1xi32>
    %broadcast_in_dim3A_41 = vector.broadcast %arg0 : i32 to vector<2048x1xi32>
    %select_n3A = arith.select %gt3A, %broadcast_in_dim3A_41, %get3A_40 : vector<2048x1xi1>, vector<2048x1xi32>
    %swap3A = arith.constant 0 : index
    %swap3A_42 = arith.constant 0 : index
    %swap3A_43 = vector.load %arg5[%swap3A, %swap3A_42] : memref<2048x1xi32, #tpu.memory_space<vmem>>, vector<2048x1xi32>
    tpu.vector_store %arg5[%swap3A, %swap3A_42], %select_n3A {strides = array<i32>} : memref<2048x1xi32, #tpu.memory_space<vmem>>, vector<2048x1xi32>,
    %get3A_44 = arith.constant 0 : index
    %get3A_45 = arith.constant 0 : index
    %get3A_46 = vector.load %arg4[%get3A_44, %get3A_45] : memref<2048x1xf32, #tpu.memory_space<vmem>>, vector<2048x1xf32>
    %max3A_47 = arith.maximumf %broadcast_in_dim3A_34, %get3A_46 : vector<2048x1xf32>
    %swap3A_48 = arith.constant 0 : index
    %swap3A_49 = arith.constant 0 : index
    %swap3A_50 = vector.load %arg4[%swap3A_48, %swap3A_49] : memref<2048x1xf32, #tpu.memory_space<vmem>>, vector<2048x1xf32>
    tpu.vector_store %arg4[%swap3A_48, %swap3A_49], %max3A_47 {strides = array<i32>} : memref<2048x1xf32, #tpu.memory_space<vmem>>, vector<2048x1xf32>,
    %eq3A_51 = arith.constant 24 : i32
    %eq3A_52 = arith.cmpi eq, %arg0, %eq3A_51 : i32
    %convert_element_type3A_53 = arith.extui %eq3A_52 : i1 to i32
    %cond3A_54 = arith.constant 0 : i32
    %cond3A_55 = arith.cmpi ne, %convert_element_type3A_53, %cond3A_54 : i32
    scf.if %cond3A_55 {
      %get3A_56 = arith.constant 0 : index
      %get3A_57 = arith.constant 0 : index
      %get3A_58 = vector.load %arg4[%get3A_56, %get3A_57] : memref<2048x1xf32, #tpu.memory_space<vmem>>, vector<2048x1xf32>
      %bitcast_convert_type3A_59 = tpu.bitcast %get3A_58 : vector<2048x1xf32> -> vector<2048x1xi32>
      %and3A_60 = arith.constant 4095 : i32
      %and3A_61 = vector.broadcast %and3A_60 : i32 to vector<2048x1xi32>
      %and3A_62 = arith.andi %bitcast_convert_type3A_59, %and3A_61 : vector<2048x1xi32>
      %get3A_63 = arith.constant 0 : index
      %get3A_64 = arith.constant 0 : index
      %get3A_65 = vector.load %arg5[%get3A_63, %get3A_64] : memref<2048x1xi32, #tpu.memory_space<vmem>>, vector<2048x1xi32>
      %mul3A_66 = arith.constant 4000 : i32
      %mul3A_67 = vector.broadcast %mul3A_66 : i32 to vector<2048x1xi32>
      %mul3A_68 = arith.muli %get3A_65, %mul3A_67 : vector<2048x1xi32>
      %sub3A_69 = arith.constant 3999 : i32
      %sub3A_70 = vector.broadcast %sub3A_69 : i32 to vector<2048x1xi32>
      %sub3A_71 = arith.subi %sub3A_70, %and3A_62 : vector<2048x1xi32>
      %add3A = arith.addi %mul3A_68, %sub3A_71 : vector<2048x1xi32>
      %swap3A_72 = arith.constant 0 : index
      %swap3A_73 = arith.constant 0 : index
      %swap3A_74 = vector.load %arg3[%swap3A_72, %swap3A_73] : memref<2048x1xi32, #tpu.memory_space<vmem>>, vector<2048x1xi32>
      tpu.vector_store %arg3[%swap3A_72, %swap3A_73], %add3A {strides = array<i32>} : memref<2048x1xi32, #tpu.memory_space<vmem>>, vector<2048x1xi32>,
    } else {
    }
    return
  }
  func.func @transform_0(%arg0: i32) -> (i32, i32) {
    %c0_i32 = arith.constant 0 : i32
    %c0_i32_0 = arith.constant 0 : i32
    %c0_i32_1 = arith.constant 0 : i32
    return %c0_i32, %c0_i32_0 : i32, i32
  }
  func.func @transform_1(%arg0: i32) -> (i32, i32) {
    %c0_i32 = arith.constant 0 : i32
    %c0_i32_0 = arith.constant 0 : i32
    return %arg0, %c0_i32 : i32, i32
  }
  func.func @transform_2(%arg0: i32) -> (i32, i32) {
    %c0_i32 = arith.constant 0 : i32
    %c0_i32_0 = arith.constant 0 : i32
    %c0_i32_1 = arith.constant 0 : i32
    return %c0_i32, %c0_i32_0 : i32, i32
  }
}

module attributes {stable_mosaic.version = 14 : i64} {
  func.func @_loss_body(%arg0: i32, %arg1: memref<2048x64xf32, #tpu.memory_space<vmem>>, %arg2: memref<512x64xf32, #tpu.memory_space<vmem>>, %arg3: memref<1x1xf32, #tpu.memory_space<vmem>>, %arg4: memref<2048x64xf32, #tpu.memory_space<vmem>>, %arg5: memref<512x2048xf32, #tpu.memory_space<vmem>>) attributes {dimension_semantics = [#tpu.dimension_semantics<arbitrary>], iteration_bounds = array<i64: 4>, scalar_prefetch = 0 : i64, scratch_operands = 2 : i64, tpu.core_type = #tpu.core_type<tc>, window_params = [{pipeline_mode = #tpu.pipeline_mode<synchronous>, transform_indices = @transform_0, window_bounds = array<i64: 2048, 64>}, {transform_indices = @transform_1, window_bounds = array<i64: 512, 64>}, {pipeline_mode = #tpu.pipeline_mode<synchronous>, transform_indices = @transform_2, window_bounds = array<i64: 1, 1>}]} {
    %eq3A = arith.constant 0 : i32
    %eq3A_0 = arith.cmpi eq, %arg0, %eq3A : i32
    %convert_element_type3A = arith.extui %eq3A_0 : i1 to i32
    %cond3A = arith.constant 0 : i32
    %cond3A_1 = arith.cmpi ne, %convert_element_type3A, %cond3A : i32
    scf.if %cond3A_1 {
      %get3A_79 = arith.constant 0 : index
      %get3A_80 = arith.constant 0 : index
      %get3A_81 = vector.load %arg1[%get3A_79, %get3A_80] : memref<2048x64xf32, #tpu.memory_space<vmem>>, vector<2048x64xf32>
      %mul3A_82 = arith.mulf %get3A_81, %get3A_81 : vector<2048x64xf32>
      %reduce_sum3A_83 = arith.constant dense<0.000000e+00> : vector<2048xf32>
      %reduce_sum3A_84 = vector.multi_reduction <add>, %mul3A_82, %reduce_sum3A_83 [1] : vector<2048x64xf32> to vector<2048xf32>
      %broadcast_in_dim3A_85 = vector.shape_cast %reduce_sum3A_84 : vector<2048xf32> to vector<2048x1xf32>
      %sqrt3A_86 = math.sqrt %broadcast_in_dim3A_85 : vector<2048x1xf32>
      %max3A_87 = arith.constant 9.99999996E-13 : f32
      %max3A_88 = vector.broadcast %max3A_87 : f32 to vector<2048x1xf32>
      %max3A_89 = arith.maximumf %sqrt3A_86, %max3A_88 : vector<2048x1xf32>
      %div3A_90 = vector.broadcast %max3A_89 : vector<2048x1xf32> to vector<2048x64xf32>
      %div3A_91 = arith.divf %get3A_81, %div3A_90 : vector<2048x64xf32>
      %swap3A_92 = arith.constant 0 : index
      %swap3A_93 = arith.constant 0 : index
      %swap3A_94 = vector.load %arg4[%swap3A_92, %swap3A_93] : memref<2048x64xf32, #tpu.memory_space<vmem>>, vector<2048x64xf32>
      tpu.vector_store %arg4[%swap3A_92, %swap3A_93], %div3A_91 {strides = array<i32>} : memref<2048x64xf32, #tpu.memory_space<vmem>>, vector<2048x64xf32>,
      %broadcast_in_dim3A_95 = arith.constant 0.000000e+00 : f32
      %broadcast_in_dim3A_96 = vector.broadcast %broadcast_in_dim3A_95 : f32 to vector<1x1xf32>
      %swap3A_97 = arith.constant 0 : index
      %swap3A_98 = arith.constant 0 : index
      %swap3A_99 = vector.load %arg3[%swap3A_97, %swap3A_98] : memref<1x1xf32, #tpu.memory_space<vmem>>, vector<1x1xf32>
      tpu.vector_store %arg3[%swap3A_97, %swap3A_98], %broadcast_in_dim3A_96 {strides = array<i32>} : memref<1x1xf32, #tpu.memory_space<vmem>>, vector<1x1xf32>,
    } else {
    }
    %get3A = arith.constant 0 : index
    %get3A_2 = arith.constant 0 : index
    %get3A_3 = vector.load %arg2[%get3A, %get3A_2] : memref<512x64xf32, #tpu.memory_space<vmem>>, vector<512x64xf32>
    %mul3A = arith.mulf %get3A_3, %get3A_3 : vector<512x64xf32>
    %reduce_sum3A = arith.constant dense<0.000000e+00> : vector<512xf32>
    %reduce_sum3A_4 = vector.multi_reduction <add>, %mul3A, %reduce_sum3A [1] : vector<512x64xf32> to vector<512xf32>
    %broadcast_in_dim3A = vector.shape_cast %reduce_sum3A_4 : vector<512xf32> to vector<512x1xf32>
    %sqrt3A = math.sqrt %broadcast_in_dim3A : vector<512x1xf32>
    %max3A = arith.constant 9.99999996E-13 : f32
    %max3A_5 = vector.broadcast %max3A : f32 to vector<512x1xf32>
    %max3A_6 = arith.maximumf %sqrt3A, %max3A_5 : vector<512x1xf32>
    %div3A = vector.broadcast %max3A_6 : vector<512x1xf32> to vector<512x64xf32>
    %div3A_7 = arith.divf %get3A_3, %div3A : vector<512x64xf32>
    %get3A_8 = arith.constant 0 : index
    %get3A_9 = arith.constant 0 : index
    %get3A_10 = vector.load %arg4[%get3A_8, %get3A_9] : memref<2048x64xf32, #tpu.memory_space<vmem>>, vector<2048x64xf32>
    %dot_general3A = arith.constant dense<0.000000e+00> : vector<512x2048xf32>
    %dot_general3A_11 = tpu.matmul %div3A_7, %get3A_10, %dot_general3A {dimension_numbers = #tpu.dot_dimension_numbers<[1], [1], [0], [0], [0, 0, 1, 0], [], []>, transpose_lhs_hint = false} : vector<512x64xf32>, vector<2048x64xf32>, vector<512x2048xf32> -> vector<512x2048xf32>
    %mul3A_12 = arith.constant 2.000000e+00 : f32
    %mul3A_13 = vector.broadcast %mul3A_12 : f32 to vector<512x2048xf32>
    %mul3A_14 = arith.mulf %dot_general3A_11, %mul3A_13 : vector<512x2048xf32>
    %swap3A = arith.constant 0 : index
    %swap3A_15 = arith.constant 0 : index
    %swap3A_16 = vector.load %arg5[%swap3A, %swap3A_15] : memref<512x2048xf32, #tpu.memory_space<vmem>>, vector<512x2048xf32>
    tpu.vector_store %arg5[%swap3A, %swap3A_15], %mul3A_14 {strides = array<i32>} : memref<512x2048xf32, #tpu.memory_space<vmem>>, vector<512x2048xf32>,
    %iota3A = tpu.iota {dimensions = array<i32: 0>} : vector<512x512xi32>
    %iota3A_17 = tpu.iota {dimensions = array<i32: 1>} : vector<512x512xi32>
    %eq3A_18 = arith.cmpi eq, %iota3A, %iota3A_17 : vector<512x512xi32>
    %mul3A_19 = arith.constant 512 : i32
    %mul3A_20 = arith.muli %arg0, %mul3A_19 : i32
    %get3A_21 = arith.constant 0 : index
    %get3A_22 = arith.index_cast %mul3A_20 : i32 to index
    %get3A_23 = vector.load %arg5[%get3A_21, %get3A_22] : memref<512x2048xf32, #tpu.memory_space<vmem>>, vector<512x512xf32>
    %jit3A = arith.constant 0.000000e+00 : f32
    %broadcast_in_dim3A_24 = vector.broadcast %jit3A : f32 to vector<512x512xf32>
    %select_n3A = arith.select %eq3A_18, %get3A_23, %broadcast_in_dim3A_24 : vector<512x512xi1>, vector<512x512xf32>
    %reduce_sum3A_25 = arith.constant dense<0.000000e+00> : vector<512xf32>
    %reduce_sum3A_26 = vector.multi_reduction <add>, %select_n3A, %reduce_sum3A_25 [1] : vector<512x512xf32> to vector<512xf32>
    %broadcast_in_dim3A_27 = vector.shape_cast %reduce_sum3A_26 : vector<512xf32> to vector<512x1xf32>
    %mul3A_28 = arith.constant 512 : i32
    %mul3A_29 = arith.muli %arg0, %mul3A_28 : i32
    %add3A = arith.constant 1024 : i32
    %add3A_30 = arith.addi %mul3A_29, %add3A : i32
    %jit3A_31 = arith.constant 2048 : i32
    %eq3A_32 = arith.constant 0 : i32
    %eq3A_33 = arith.cmpi eq, %jit3A_31, %eq3A_32 : i32
    %jit3A_34 = arith.constant 1 : i32
    %select_n3A_35 = arith.select %eq3A_33, %jit3A_34, %jit3A_31 : i32
    %rem3A = arith.remsi %add3A_30, %select_n3A_35 : i32
    %ne3A = arith.constant 0 : i32
    %ne3A_36 = arith.cmpi ne, %rem3A, %ne3A : i32
    %lt3A = arith.constant 0 : i32
    %lt3A_37 = arith.cmpi slt, %rem3A, %lt3A : i32
    %lt3A_38 = arith.constant 0 : i32
    %lt3A_39 = arith.cmpi slt, %select_n3A_35, %lt3A_38 : i32
    %ne3A_40 = arith.xori %lt3A_37, %lt3A_39 : i1
    %and3A = arith.andi %ne3A_40, %ne3A_36 : i1
    %add3A_41 = arith.addi %rem3A, %select_n3A_35 : i32
    %select_n3A_42 = arith.select %and3A, %add3A_41, %rem3A : i32
    %get3A_43 = arith.constant 0 : index
    %get3A_44 = arith.index_cast %select_n3A_42 : i32 to index
    %get3A_45 = vector.load %arg5[%get3A_43, %get3A_44] : memref<512x2048xf32, #tpu.memory_space<vmem>>, vector<512x512xf32>
    %jit3A_46 = arith.constant 0.000000e+00 : f32
    %broadcast_in_dim3A_47 = vector.broadcast %jit3A_46 : f32 to vector<512x512xf32>
    %select_n3A_48 = arith.select %eq3A_18, %get3A_45, %broadcast_in_dim3A_47 : vector<512x512xi1>, vector<512x512xf32>
    %reduce_sum3A_49 = vector.shape_cast %select_n3A_48 : vector<512x512xf32> to vector<1x512x512xf32>
    %reduce_sum3A_50 = arith.constant dense<0.000000e+00> : vector<1xf32>
    %reduce_sum3A_51 = vector.multi_reduction <add>, %reduce_sum3A_49, %reduce_sum3A_50 [1, 2] : vector<1x512x512xf32> to vector<1xf32>
    %reduce_sum3A_52 = vector.shape_cast %reduce_sum3A_51 : vector<1xf32> to vector<1x1x1xf32>
    %reduce_sum3A_53 = vector.extract %reduce_sum3A_52[0, 0, 0] : f32 from vector<1x1x1xf32>
    %reduce_max3A = arith.constant dense<0xFF800000> : vector<512xf32>
    %reduce_max3A_54 = vector.multi_reduction <maximumf>, %mul3A_14, %reduce_max3A [1] : vector<512x2048xf32> to vector<512xf32>
    %broadcast_in_dim3A_55 = vector.shape_cast %reduce_max3A_54 : vector<512xf32> to vector<512x1xf32>
    %sub3A = vector.broadcast %broadcast_in_dim3A_55 : vector<512x1xf32> to vector<512x2048xf32>
    %sub3A_56 = arith.subf %mul3A_14, %sub3A : vector<512x2048xf32>
    %exp3A = math.exp %sub3A_56 : vector<512x2048xf32>
    %reduce_sum3A_57 = arith.constant dense<0.000000e+00> : vector<512xf32>
    %reduce_sum3A_58 = vector.multi_reduction <add>, %exp3A, %reduce_sum3A_57 [1] : vector<512x2048xf32> to vector<512xf32>
    %broadcast_in_dim3A_59 = vector.shape_cast %reduce_sum3A_58 : vector<512xf32> to vector<512x1xf32>
    %sub3A_60 = arith.subf %broadcast_in_dim3A_27, %broadcast_in_dim3A_55 : vector<512x1xf32>
    %exp3A_61 = math.exp %sub3A_60 : vector<512x1xf32>
    %sub3A_62 = arith.subf %broadcast_in_dim3A_59, %exp3A_61 : vector<512x1xf32>
    %log3A = math.log %sub3A_62 : vector<512x1xf32>
    %add3A_63 = arith.addf %log3A, %broadcast_in_dim3A_55 : vector<512x1xf32>
    %reduce_sum3A_64 = vector.shape_cast %add3A_63 : vector<512x1xf32> to vector<1x512x1xf32>
    %reduce_sum3A_65 = arith.constant dense<0.000000e+00> : vector<1xf32>
    %reduce_sum3A_66 = vector.multi_reduction <add>, %reduce_sum3A_64, %reduce_sum3A_65 [1, 2] : vector<1x512x1xf32> to vector<1xf32>
    %reduce_sum3A_67 = vector.shape_cast %reduce_sum3A_66 : vector<1xf32> to vector<1x1x1xf32>
    %reduce_sum3A_68 = vector.extract %reduce_sum3A_67[0, 0, 0] : f32 from vector<1x1x1xf32>
    %sub3A_69 = arith.subf %reduce_sum3A_68, %reduce_sum3A_53 : f32
    %mul3A_70 = arith.constant 4.8828125E-4 : f32
    %mul3A_71 = arith.mulf %sub3A_69, %mul3A_70 : f32
    %get3A_72 = arith.constant 0 : index
    %get3A_73 = arith.constant 0 : index
    %get3A_74 = vector.load %arg3[%get3A_72, %get3A_73] : memref<1x1xf32, #tpu.memory_space<vmem>>, vector<1x1xf32>
    %reshape3A = vector.broadcast %mul3A_71 : f32 to vector<1x1xf32>
    %add3A_75 = arith.addf %get3A_74, %reshape3A : vector<1x1xf32>
    %swap3A_76 = arith.constant 0 : index
    %swap3A_77 = arith.constant 0 : index
    %swap3A_78 = vector.load %arg3[%swap3A_76, %swap3A_77] : memref<1x1xf32, #tpu.memory_space<vmem>>, vector<1x1xf32>
    tpu.vector_store %arg3[%swap3A_76, %swap3A_77], %add3A_75 {strides = array<i32>} : memref<1x1xf32, #tpu.memory_space<vmem>>, vector<1x1xf32>,
    return
  }
  func.func @transform_0(%arg0: i32) -> (i32, i32) {
    %c0_i32 = arith.constant 0 : i32
    %c0_i32_0 = arith.constant 0 : i32
    %c0_i32_1 = arith.constant 0 : i32
    return %c0_i32, %c0_i32_0 : i32, i32
  }
  func.func @transform_1(%arg0: i32) -> (i32, i32) {
    %c0_i32 = arith.constant 0 : i32
    %c0_i32_0 = arith.constant 0 : i32
    return %arg0, %c0_i32 : i32, i32
  }
  func.func @transform_2(%arg0: i32) -> (i32, i32) {
    %c0_i32 = arith.constant 0 : i32
    %c0_i32_0 = arith.constant 0 : i32
    %c0_i32_1 = arith.constant 0 : i32
    return %c0_i32, %c0_i32_0 : i32, i32
  }
}

</mosaic_0001>

<sc_bundles>
// kernel: kernel.5.cloned.1.call-start
scs
__scs_entry_jumppad:
0x0: {  	(pc) =	sbr.rel $0x88, $3  }
0x1: {  	(tag) =	ssettag $0x0;
	lr =	simm.s32 $0x1  }
0x2: {  	[smem:$0x3F9E] =	sst lr;
	_ =	strace $0xD0000000  }
0x3: {  	_ = 	snop  }
0x4: {  	_ = 	snop  }
0x5: {  	_ = 	snop  }
0x6: {  	_ = 	snop  }
0x7: {  	_ = 	snop  }
__scs_overlays_trampoline_lowered:
0x8: {  	[smem:$0x3FAD] =	sst s0  }
0x9: {  	[smem:$0x3FAE] =	sst s1  }
0xa: {  	[smem:$0x3FAF] =	sst s2  }
0xb: {  	[smem:$0x3FB0] =	sst s3  }
0xc: {  	[smem:$0x3FB1] =	sst s4  }
0xd: {  	[smem:$0x3FB2] =	sst s5  }
0xe: {  	[smem:$0x3FB3] =	sst s6  }
0xf: {  	[smem:$0x3FB4] =	sst s7  }
0x10: {  	[smem:$0x3FB5] =	sst s8  }
0x11: {  	[smem:$0x3FB6] =	sst s9;
	s0 =	simm.s32 @!p0 $0x0  }
0x12: {  	s1 =	sld [smem:$0x3F9C];
	s0 =	simm.s32 @p0 $0x1  }
0x13: {  	[smem:$0x3FB7] =	sst s0;
	s0 =	simm.s32 @!p1 $0x0  }
0x14: {  	s2 =	sld [smem:$0x3F9B];
	s0 =	simm.s32 @p1 $0x1  }
0x15: {  	[smem:$0x3FB8] =	sst s0;
	s0 =	simm.s32 @!p2 $0x0  }
0x16: {  	s3 =	sld [smem:$0x3FDB];
	s0 =	simm.s32 @p2 $0x1  }
0x17: {  	s4 =	simm.s32 $0x1BF5;
	[smem:$0x3FBA] =	sst s0  }
0x18: {  	s0 =	sld [smem:$0x3F9D];
	_ =	swait.ge [sflag:s4], $0x0  }
0x19: {  	s7 =	sld [smem:$0x3F9E]  }
0x1a: {  	s8 =	sadd.s32 $0xFFFFE003, lr  }
0x1b: {  	s9 =	sadd.s32 $0xFFFFFEF7, lr;
	s5 =	simm.s32 $0xFFFFFFFF;
	p2 =	slt.u32 s8, $0xFFFFF086  }
0x1c: {  	p1 =	slt.u32 s9, $0xF7A;
	s5 =	simm.s32 @!p2 $0x0  }
0x1d: {  	s5 =	simm.s32 @p1 $0x1;
	p0 =	seq.s32 s7, s2  }
0x1e: {  	s7 =	smul.u32 @!p0 $0xF7A, s2;
	p2 =	seq.s32 @!p0 s5, $0x0  }
0x1f: {  	s9 =	smul.u32 $0xF7A, s1;
	s8 =	simm.s32 @!p0 $0x1BF5;
	p2 =	por !p2, p0  }
0x20: {  	[sflag:s8] =	ssyncset.s32 @!p0 $0xFFFFF086;
	s6 =	sadd.s32 @!p0 s3, s7;
	s7 =	simm.s32 @!p0 $0x108  }
0x21: {  	s3 =	sadd.s32 s3, s9;
	s6 =	sadd.s32 @!p0 $0x88, s6;
	s7 =	simm.s32 @p2 $0x1082  }
0x22: {  	[simem:s7], [sflag:s8] =	dma.local @!p0 [hbm:s6], $0xF7A  }
0x23: {  	s9 =	sor.u32 $0xD0000000, s2;
	s6 =	simm.s32 $0x108;
	_ =	swait.ge @!p0 [sflag:s8], $0x0  }
0x24: {  	s3 =	sadd.s32 $0x88, s3;
	s6 =	simm.s32 @!p1 $0x1082;
	[sflag:s4] =	ssyncset.s32 $0xFFFFF086  }
0x25: {  	[simem:s6], [sflag:s4] =	dma.local [hbm:s3], $0xF7A  }
0x26: {  	[smem:$0x3F9E] =	sst s1;
	(tag) =	ssettag s2;
	_ =	strace s9  }
0x27: {  	s1 =	sld [smem:$0x3FAE]  }
0x28: {  	s2 =	sld [smem:$0x3FAF]  }
0x29: {  	s4 =	sld [smem:$0x3FB1]  }
0x2a: {  	p0 =	seq.s32 s5, $0x0;
	s5 =	sld [smem:$0x3FB2]  }
0x2b: {  	s6 =	sld [smem:$0x3FB3]  }
0x2c: {  	s7 =	sld [smem:$0x3FB4]  }
0x2d: {  	s3 =	simm.s32 $0x108;
	s8 =	sld [smem:$0x3FB5]  }
0x2e: {  	s3 =	simm.s32 @!p0 $0x1082;
	s9 =	sld [smem:$0x3FB6]  }
0x2f: {  	lr =	sadd.s32 s0, s3;
	s0 =	sld [smem:$0x3FAD]  }
0x30: {  	s3 =	sld [smem:$0x3FB0]  }
0x31: {  	[smem:$0x3FB9] =	sst s10  }
0x32: {  	s10 =	sld [smem:$0x3FB7];
	_ =	sdelay $0x3  }
0x33: {  	p0 =	seq.s32 s10, $0x1;
	s10 =	sld [smem:$0x3FB9];
	_ =	sdelay $0x3  }
0x34: {  	[smem:$0x3FB9] =	sst s10  }
0x35: {  	s10 =	sld [smem:$0x3FB8];
	_ =	sdelay $0x3  }
0x36: {  	p1 =	seq.s32 s10, $0x1;
	s10 =	sld [smem:$0x3FB9];
	_ =	sdelay $0x3  }
0x37: {  	[smem:$0x3FB9] =	sst s10  }
0x38: {  	s10 =	sld [smem:$0x3FBA]  }
0x39: {  	_ = 	snop;
	(pc) =	sbr.ind lr, $3  }
0x3a: {  	_ = 	snop  }
0x3b: {  	_ = 	snop  }
0x3c: {  	p2 =	seq.s32 s10, $0x1;
	s10 =	sld [smem:$0x3FB9]  }
0x3d: {  	_ =	shalt  }
0x3e: {  	_ =	shalt  }
0x3f: {  	_ =	shalt  }
0x40: {  	_ =	shalt  }
0x41: {  	_ =	shalt  }
0x42: {  	_ =	shalt  }
0x43: {  	_ =	shalt  }
0x44: {  	_ =	shalt  }
0x45: {  	_ =	shalt  }
0x46: {  	_ =	shalt  }
0x47: {  	_ =	shalt  }
0x48: {  	_ =	shalt  }
0x49: {  	_ =	shalt  }
0x4a: {  	_ =	shalt  }
0x4b: {  	_ =	shalt  }
0x4c: {  	_ =	shalt  }
0x4d: {  	_ =	shalt  }
0x4e: {  	_ =	shalt  }
0x4f: {  	_ =	shalt  }
0x50: {  	_ =	shalt  }
0x51: {  	_ =	shalt  }
0x52: {  	_ =	shalt  }
0x53: {  	_ =	shalt  }
0x54: {  	_ =	shalt  }
0x55: {  	_ =	shalt  }
0x56: {  	_ =	shalt  }
0x57: {  	_ =	shalt  }
0x58: {  	_ =	shalt  }
0x59: {  	_ =	shalt  }
0x5a: {  	_ =	shalt  }
0x5b: {  	_ =	shalt  }
0x5c: {  	_ =	shalt  }
0x5d: {  	_ =	shalt  }
0x5e: {  	_ =	shalt  }
0x5f: {  	_ =	shalt  }
0x60: {  	_ =	shalt  }
0x61: {  	_ =	shalt  }
0x62: {  	_ =	shalt  }
0x63: {  	_ =	shalt  }
0x64: {  	_ =	shalt  }
0x65: {  	_ =	shalt  }
0x66: {  	_ =	shalt  }
0x67: {  	_ =	shalt  }
0x68: {  	_ =	shalt  }
0x69: {  	_ =	shalt  }
0x6a: {  	_ =	shalt  }
0x6b: {  	_ =	shalt  }
0x6c: {  	_ =	shalt  }
0x6d: {  	_ =	shalt  }
0x6e: {  	_ =	shalt  }
0x6f: {  	_ =	shalt  }
0x70: {  	_ =	shalt  }
0x71: {  	_ =	shalt  }
0x72: {  	_ =	shalt  }
0x73: {  	_ =	shalt  }
0x74: {  	_ =	shalt  }
0x75: {  	_ =	shalt  }
0x76: {  	_ =	shalt  }
0x77: {  	_ =	shalt  }
0x78: {  	_ =	shalt  }
0x79: {  	_ =	shalt  }
0x7a: {  	_ =	shalt  }
0x7b: {  	_ =	shalt  }
0x7c: {  	_ =	shalt  }
0x7d: {  	_ =	shalt  }
0x7e: {  	_ =	shalt  }
0x7f: {  	_ =	shalt  }
0x80: {  	_ =	shalt  }
0x81: {  	_ =	shalt  }
0x82: {  	_ =	shalt  }
0x83: {  	_ =	shalt  }
0x84: {  	_ =	shalt  }
0x85: {  	_ =	shalt  }
0x86: {  	_ =	shalt  }
0x87: {  	_ =	shalt  }
.Lfunc_end0:
.L_simem_size_0:
called_computation_lowered:
.L_overlay_start_0:
0x88: {  	s2 =	sld [smem:$0x3FD9]  }
0x89: {  	s3 =	sld [smem:$0x3FFE];
	_ =	sdelay $0x1  }
0x8a: {  	s1 =	srdreg.scid  }
0x8b: {  	s0 =	sand.u32 $0x1, s1  }
0x8c: {  	s16 =	sshll.u32 s0, $0xA;
	s2 =	sadd.s32 s3, s2  }
0x8d: {  	s2 =	sadd.s32 s2, s16  }
0x8e: {  	[smem:$0x3FC5] =	sst s2  }
0x8f: {  	_ = 	snop  }
0x90: {  	(tm) =	ssettm $0x1  }
0x91: {  	s17 =	sld [smem:$0x3FFB];
	_ =	sdelay $0x3  }
0x92: {  	_ =	strace s17  }
0x93: {  	s2 =	sld [smem:$0x3FFC];
	_ =	sdelay $0x3  }
0x94: {  	_ =	strace s2  }
0x95: {  	s2 =	sld [smem:$0x3FFD];
	_ =	sdelay $0x3  }
0x96: {  	_ =	strace s2  }
0x97: {  	_ =	strace $0x8FFFFFFF  }
0x98: {  	s18 =	sld [smem:$0x3FDB];
	_ =	sdelay $0x1  }
0x99: {  	s19 =	simm.s32 $_scs_section_size  }
0x9a: {  	s4 =	simm.s32 $_size__tile_overlayer_lowered;
	s5 =	simm.s32 $_tile_overlayer_lowered  }
0x9b: {  	s22 =	simm.s32 $0x1BFF;
	s21 =	sshll.u32 s5, $0x1;
	s2 =	sadd.s32 s19, s18  }
0x9c: {  	s6 =	simm.s32 $0x0;
	s20 =	sshll.u32 s4, $0x1;
	s4 =	sadd.s32 s21, s2  }
0x9d: {  	[timem:s6], [sflag:s22] =	dma.local [hbm:s4], s20  }
0x9e: {  	_ =	swait.ge [sflag:s22], s20  }
0x9f: {  	s3 =	ssub.s32 $0x0, s20;
	[sflag:s22] =	ssyncset.done $0x0  }
0xa0: {  	[sflag:s22] =	ssyncadd.s32 s3;
	_ =	sdelay $0x1  }
0xa1: {  	s23 =	simm.s32 $0x1B8B  }
0xa2: {  	_ =	swait.ge [sflag:s23], $0x1  }
0xa3: {  	[sflag:s23] =	ssyncset.done $0x0  }
0xa4: {  	s25 =	simm.s32 $0x1B8E;
	s24 =	sld [smem:$0x3FFE];
	[sflag:s23] =	ssyncadd.s32 $0xFFFFFFFF  }
0xa5: {  	s26 =	simm.s32 $execute0_lowered;
	[smem:$0x3FD2] =	sst s25  }
0xa6: {  	s4 =	sshll.u32 s26, $0x1;
	_ =	strace $0x80000046;
	[dreg:$0x1] =	wrdreg $0xFFFFFFFF  }
0xa7: {  	s28 =	simm.s32 $_size_execute0_lowered;
	s2 =	sadd.s32 s2, s4;
	[dreg:$0x0] =	wrdreg $0x0  }
0xa8: {  	s4 =	sshll.u32 s28, $0x1;
	[dreg:$0x2] =	wrdreg s2  }
0xa9: {  	[dreg:$0x3] =	wrdreg s4  }
0xaa: {  	[dreg:$0x4] =	wrdreg $0xC0  }
0xab: {  	_ =	task [dreg:s6], $0x5FFFF  }
0xac: {  	[dreg:$0x1] =	wrdreg $0xFFFFFFFF  }
0xad: {  	[dreg:$0x0] =	wrdreg $0x60  }
0xae: {  	[dreg:$0x2] =	wrdreg s24  }
0xaf: {  	[dreg:$0x3] =	wrdreg $0x9  }
0xb0: {  	_ =	task.clear_ibuf [dreg:s6], $0x4FFFF;
	_ =	strace $0x90000046  }
0xb1: {  	s29 =	simm.s32 $0x9;
	_ =	strace $0x80000048  }
0xb2: {  	_ =	swait.ge [sflag:s29], $0x1  }
0xb3: {  	[sflag:s29] =	ssyncadd.s32 $0xFFFFFFFF  }
0xb4: {  	_ =	strace $0x90000048  }
0xb5: {  	_ =	sfence  }
0xb6: {  	s30 =	sld [smem:$0x0];
	_ =	sdelay $0x2  }
0xb7: {  	s31 =	sshll.u32 s1, $0xD;
	s1 =	sshrl.u32 s1, $0x2  }
0xb8: {  	s3 =	sand.u32 $0x4000, s31;
	s1 =	sadd.s32 s1, s30  }
0xb9: {  	s0 =	sor.u32 s3, s0;
	s1 =	sshll.u32 s1, $0x11  }
0xba: {  	s0 =	sor.u32 s1, s0  }
0xbb: {  	s0 =	sadd.s32 $0x8F2B, s0  }
0xbc: {  	[sflag:s0] =	ssyncadd.remote.s32 $0x1  }
0xbd: {  	_ =	sfence.sel $0xFFFF  }
0xbe: {  	[dreg:$0x0] =	wrdreg $0xFFFFFFFF;
	(pc) =	sbr.abs _section_cstart, $3  }
0xbf: {  	[dreg:$0x1] =	wrdreg $0xFFFFFFFF  }
0xc0: {  	_ =	task.clear_ibuf [dreg:s6], $0x2FFFF;
	_ =	strace $0x9FFFFFFF  }
0xc1: {  	(tm) =	ssettm $0x7FFFFFFF  }
tec
execute0_lowered:
.L_overlay_start_1:
0x0: {  	(tag) =	ssettag $0x1  }
0x1: {  	s1 =	srdreg.scid  }
0x2: {  	s0 =	stileid.u32;
	s6 =	sand.u32 $0x1, s1  }
0x3: {  	s8 =	rddreg [dreg:$0x0];
	s30 =	sshll.u32 s0, $0x7;
	s2 =	sshll.u32 s6, $0x6  }
0x4: {  	s7 =	simm.s32 $0x1;
	s1 =	rddreg [dreg:$0x1];
	s9 =	sor.u32 s2, s30  }
0x5: {  	s5 =	sadd.s32 $0x186E00, s8;
	s2 =	simm.s32 $0x0;
	s3 =	sshrl.u32 s9, $0x3  }
0x6: {  	s10 =	ssub.s32 $0x2, s6;
	[smem:$0x7FF] =	sst s2;
	s3 =	sadd.s32 s3, s8  }
0x7: {  	_ =	strace $0x80000047;
	s4 =	sadd.s32 $0x400, s3;
	s3 =	simm.s32 $0x2  }
0x8: {  	[tilespmem:s2], [sflag:$0x2] =	stream.linear.gather [hbm4b:s4+s2], $0x40, $0x38;
	[tilespmem:$0x1040] =	vst v63  }
0x9: {  	s6 =	simm.s32 $0x40;
	s11 =	sshrl.u32 s10, $0x1;
	_ =	swait.ge [sflag:s3], $0x40  }
0xa: {  	s9 =	sshll.u32 s9, $0x3;
	s31 =	ssub.s32 s10, s11;
	[sflag:s3] =	ssyncset.done $0x0  }
0xb: {  	s8 =	sadd.s32 s9, s8;
	s9 =	smax.u32 s31, $0x1;
	[sflag:s3] =	ssyncadd.s32 $0xFFFFFFC0  }
0xc: {  	[tilespmem:s6], [sflag:$0x1] =	stream.indirect.gather [hbm4b:s5+s6], $0x40, s2, s6, $0xb8;
	[tilespmem:$0x1040] =	vst v63  }
0xd: {  	p0 =	sne.s32 s9, $0x1;
	_ =	swait.ge [sflag:s7], $0x1000  }
.Ltmp0:
0xe: {  	[sflag:s7] =	ssyncset.done $0x0;
	(pc) =	sbr.rel @!p0 .LBB2_2-.Ltmp0, $4  }
0xf: {  	s8 =	sadd.s32 $0x600, s8;
	[sflag:s7] =	ssyncadd.s32 $0xFFFFF000  }
0x10: {  	[hbm4b:s8+s2] =	stream.linear.scatter [tilespmem:s6], [sflag:$0x2], $0x1000, $0x38;
	[tilespmem:$0x1040] =	vst v63  }
0x11: {  	_ =	swait.ge [sflag:s3], $0x1000  }
0x12: {  	s9 =	sadd.s32 $0xFFFFFFFF, s9;
	[sflag:s3] =	ssyncset.done $0x0  }
.LBB2_1:
0x13: {  	p0 =	sne.s32 s9, $0x1;
	s9 =	sadd.s32 $0xFFFFFFFF, s9;
	[sflag:s3] =	ssyncadd.s32 $0xFFFFF000  }
0x14: {  	[tilespmem:s2], [sflag:$0x2] =	stream.linear.gather [hbm4b:s4+s2], $0x40, $0x38;
	[tilespmem:$0x1040] =	vst v63  }
0x15: {  	_ =	swait.ge [sflag:s3], $0x40  }
0x16: {  	[sflag:s3] =	ssyncset.done $0x0  }
0x17: {  	[sflag:s3] =	ssyncadd.s32 $0xFFFFFFC0  }
0x18: {  	[tilespmem:s6], [sflag:$0x1] =	stream.indirect.gather [hbm4b:s5+s6], $0x40, s2, s6, $0xb8;
	[tilespmem:$0x1040] =	vst v63  }
0x19: {  	_ =	swait.ge [sflag:s7], $0x1000  }
.Ltmp1:
0x1a: {  	[sflag:s7] =	ssyncset.done $0x0;
	(pc) =	sbr.rel @p0 .LBB2_1-.Ltmp1, $4  }
0x1b: {  	[sflag:s7] =	ssyncadd.s32 $0xFFFFF000  }
0x1c: {  	[hbm4b:s8+s2] =	stream.linear.scatter [tilespmem:s6], [sflag:$0x2], $0x1000, $0x38;
	[tilespmem:$0x1040] =	vst v63  }
0x1d: {  	_ =	swait.ge [sflag:s3], $0x1000  }
0x1e: {  	[sflag:s3] =	ssyncset.done $0x0  }
.LBB2_2:
0x1f: {  	[sflag:s3] =	ssyncadd.s32 $0xFFFFF000  }
0x20: {  	_ =	sfence.sel $0x180000  }
0x21: {  	[bflag:$0x0] =	sbarrier.arrive $0xFFFF  }
0x22: {  	p0 =	sne.s32 s0, $0x0;
	_ =	strace $0x90000047  }
0x23: {  	s0 =	sadd.s32 @!p0 $0x100000, s1;
	[bflag:$0x2] =	sbarrier.arrive $0xFFFF  }
0x24: {  	[sflag:s0] =	ssyncadd.tile.s32 @!p0 $0x1;
	_ =	shalt  }
.Lfunc_end2:
_tile_overlayer_lowered:
.L_overlay_start_2:
0x25: {  	(tag) =	ssettag $0x2  }
0x26: {  	s0 =	rddreg [dreg:$0x0];
	s2 =	stileid.u32  }
0x27: {  	s1 =	rddreg [dreg:$0x1];
	p0 =	sne.s32 s2, $0x0  }
0x28: {  	s3 =	rddreg [dreg:$0x2];
	[bflag:$0x3] =	sbarrier.arrive $0xFFFF;
	s2 =	simm.s32 @!p0 $0x1C02  }
0x29: {  	[timem:s3], [sflag:s2] =	dma.local @!p0 [hbm:s0], s1  }
0x2a: {  	s0 =	simm.s32 @!p0 $0x2  }
0x2b: {  	_ =	swait.ge @!p0 [sflag:s0], s1  }
0x2c: {  	s1 =	ssub.s32 @!p0 $0x0, s1;
	[sflag:s0] =	ssyncset.done @!p0 $0x0  }
0x2d: {  	[sflag:s0] =	ssyncadd.s32 @!p0 s1  }
0x2e: {  	[bflag:$0x3] =	sbarrier.arrive $0xFFFF  }
0x2f: {  	_ =	shalt  }

</sc_bundles>
